<compile_context>
chip_gen: v7x
topology: tpu7x:2x2x1
jax: 0.10.2.dev20260603
libtpu: 0.0.44.dev20260713+nightly
codegen_flags: <defaults>
</compile_context>

<pallas_src>
import dataclasses
import functools

import jax
import jax.numpy as jnp
from jax import lax
from jax.experimental import pallas as pl
from jax.experimental.pallas import tpu as pltpu
from jax.experimental.pallas import tpu_sc as plsc

N = 50000
E = 800000
H = 64
HH = 32
NTAGS = 1000
NC = 2
NS = 16
L = 16

NPH = 51200
HSLICE = NPH // NS
EPT_H = E // (NC * NS)
NPG = 50176
GPT = NPG // (NC * NS)
CH = 96
PF = 6
NBR = 6
NCH = 522
NSG = NCH // PF
NCHA = NCH + PF
EPT = NCH * CH
NPAD = 50008
RPT = N // NS
FCH = 125
NF = RPT // FCH

def _sc_params():
    cp = pltpu.CompilerParams()
    fields = pltpu.CompilerParams.__dataclass_fields__
    if "needs_layout_passes" in fields:
        cp = dataclasses.replace(cp, needs_layout_passes=False)
    if "use_tc_tiling_on_sc" in fields:
        cp = dataclasses.replace(cp, use_tc_tiling_on_sc=False)
    return cp


@functools.lru_cache(maxsize=1)
def _mesh():
    return plsc.VectorSubcoreMesh(core_axis_name="c", subcore_axis_name="s",
                                  num_cores=NC, num_subcores=NS)
_f32 = jnp.float32


def _zero16():
    return jnp.zeros((L,), _f32)


@jax.jit
def _sc_hist(col):
    @functools.partial(
        pl.kernel,
        out_type=jax.ShapeDtypeStruct((NC, NPH), _f32),
        mesh=_mesh(),
        scratch_types=[
            pltpu.VMEM((1600,), jnp.int32),
            pltpu.VMEM((NPH,), _f32),
            pltpu.VMEM((HSLICE,), _f32),
            pltpu.VMEM((HSLICE,), _f32),
            pltpu.VMEM_SHARED((NS, NPH), _f32),
        ],
        compiler_params=_sc_params(),
    )
    def k(col_hbm, out_hbm, colbuf, hist, accv, tmpv, stage):
        c = lax.axis_index("c")
        s = lax.axis_index("s")
        ones = jnp.ones((L,), _f32)

        @pl.loop(0, NPH, step=L)
        def _(i):
            hist[pl.ds(i, L)] = _zero16()

        e0 = (c * NS + s) * EPT_H

        @pl.loop(0, 15)
        def _(j):
            pltpu.sync_copy(col_hbm.at[pl.ds(e0 + j * 1600, 1600)], colbuf)

            @pl.loop(0, 1600, step=L)
            def _(i):
                plsc.addupdate_scatter(hist, [colbuf[pl.ds(i, L)]], ones)

        pltpu.sync_copy(col_hbm.at[pl.ds(e0 + 24000, 1000)],
                        colbuf.at[pl.ds(0, 1000)])

        @pl.loop(0, 992, step=L)
        def _(i):
            plsc.addupdate_scatter(hist, [colbuf[pl.ds(i, L)]], ones)

        tail_mask = lax.iota(jnp.int32, L) < 8
        plsc.addupdate_scatter(hist, [colbuf[pl.ds(992, L)]], ones,
                               mask=tail_mask)

        pltpu.sync_copy(hist, stage.at[s])
        plsc.subcore_barrier()
        base = s * HSLICE

        @pl.loop(0, HSLICE, step=L)
        def _(i):
            accv[pl.ds(i, L)] = _zero16()

        @pl.loop(0, NS)
        def _(t):
            pltpu.sync_copy(stage.at[t, pl.ds(base, HSLICE)], tmpv)

            @pl.loop(0, HSLICE, step=L)
            def _(i):
                accv[pl.ds(i, L)] = accv[pl.ds(i, L)] + tmpv[pl.ds(i, L)]

        pltpu.sync_copy(accv, out_hbm.at[c, pl.ds(base, HSLICE)])

    return k(col)


@jax.jit
def _sc_gather(table, idx):
    @functools.partial(
        pl.kernel,
        out_type=jax.ShapeDtypeStruct((NPG, H), _f32),
        mesh=_mesh(),
        scratch_types=[
            pltpu.VMEM((128,), jnp.int32),
            pltpu.VMEM((128, H), _f32),
            pltpu.VMEM((32,), jnp.int32),
            pltpu.VMEM((32, H), _f32),
            pltpu.SemaphoreType.DMA,
        ],
        compiler_params=_sc_params(),
    )
    def k(t_hbm, x_hbm, out_hbm, idxv, rows, idxt, rowst, sem):
        w = lax.axis_index("s") * NC + lax.axis_index("c")
        base = w * GPT

        @pl.loop(0, 12)
        def _(j):
            b = base + j * 128
            pltpu.sync_copy(x_hbm.at[pl.ds(b, 128)], idxv)
            pltpu.async_copy(t_hbm.at[idxv], rows, sem).wait()
            pltpu.sync_copy(rows, out_hbm.at[pl.ds(b, 128), :])

        b = base + 1536
        pltpu.sync_copy(x_hbm.at[pl.ds(b, 32)], idxt)
        pltpu.async_copy(t_hbm.at[idxt], rowst, sem).wait()
        pltpu.sync_copy(rowst, out_hbm.at[pl.ds(b, 32), :])

    return k(table, idx)


@jax.jit
def _sc_edge(g2d, edge_ch):
    @functools.partial(
        pl.kernel,
        out_type=jax.ShapeDtypeStruct((N, H), _f32),
        mesh=_mesh(),
        scratch_types=[
            pltpu.VMEM((3, PF, 2, CH), jnp.int32),
            pltpu.VMEM((NBR, CH, HH), _f32),
            pltpu.VMEM((FCH, HH), _f32),
            pltpu.VMEM_SHARED((NPAD, HH), _f32),
        ] + [pltpu.SemaphoreType.DMA] * (3 + 2 * NBR + 1),
        compiler_params=_sc_params(),
    )
    def k(g_hbm, e_hbm, out_hbm, ib, rows, zb, acc, *sems):
        c = lax.axis_index("c")
        s = lax.axis_index("s")
        sa = sems[0:3]
        sc_ = sems[3:3 + NBR]
        sd = sems[3 + NBR:3 + 2 * NBR]
        sz = sems[3 + 2 * NBR]

        @pl.loop(0, FCH)
        def _(i):
            zb[i, pl.ds(0, L)] = _zero16()
            zb[i, pl.ds(L, L)] = _zero16()

        r0 = s * RPT
        zd = [pltpu.async_copy(zb, acc.at[pl.ds(r0 + i * FCH, FCH), :],
                               sz) for i in range(NF)]
        for d in zd:
            d.wait()
        plsc.subcore_barrier()

        gsrc = g_hbm.at[pl.ds(c, 2 * N), :]

        def fire_a(sgi, b):
            pltpu.async_copy(e_hbm.at[s, pl.ds(sgi * PF, PF)],
                             ib.at[b], sa[b])

        def drain_a(b):
            pltpu.make_async_copy(e_hbm.at[s, pl.ds(0, PF)],
                                  ib.at[b], sa[b]).wait()

        def fire_c(kk, ibb):
            pltpu.async_copy(gsrc.at[ib.at[ibb, kk, 0]], rows.at[kk],
                             sc_[kk])

        def drain_c(kk):
            pltpu.make_async_copy(g_hbm.at[pl.ds(0, CH), :], rows.at[kk],
                                  sc_[kk]).wait()

        def fire_d(kk, ibb):
            pltpu.async_copy(rows.at[kk], acc.at[ib.at[ibb, kk, 1]],
                             sd[kk], add=True)

        def drain_d(kk):
            pltpu.make_async_copy(g_hbm.at[pl.ds(0, CH), :], rows.at[kk],
                                  sd[kk]).wait()

        def chunk_ops(q, kk, warm):
            if warm >= 6:
                drain_d(kk)
            fire_c(kk, q)
            if warm >= 4:
                dk = kk - 4
                dib = q if dk >= 0 else (q - 1) % 3
                drain_c(dk % PF)
                fire_d(dk % PF, dib)

        fire_a(0, 0)
        fire_a(1, 1)
        fire_a(2, 2)
        drain_a(0)
        for kk in range(PF):
            chunk_ops(0, kk, kk)
        @pl.loop(0, (NSG - 3) // 3)
        def _(G):
            for qo in (1, 2, 3):
                sgi = 3 * G + qo
                q = qo % 3
                drain_a(q)
                for kk in range(PF):
                    chunk_ops(q, kk, 10)
                    if kk == 3:
                        fire_a(sgi + 2, (q + 2) % 3)
        q_t0 = (NSG - 2) % 3
        q_t1 = (NSG - 1) % 3
        drain_a(q_t0)
        for kk in range(PF):
            chunk_ops(q_t0, kk, 10)
            if kk == 3:
                fire_a(NSG, NSG % 3)
        drain_a(q_t1)
        for kk in range(PF):
            chunk_ops(q_t1, kk, 10)
        drain_d((NCH - 6) % PF)
        drain_d((NCH - 5) % PF)
        for jj in range(NCH - 4, NCH):
            kk = jj % PF
            drain_c(kk)
            fire_d(kk, q_t1)
        for jj in range(NCH - 4, NCH):
            drain_d(jj % PF)
        drain_a(NSG % 3)

        plsc.subcore_barrier()
        co = c * HH
        fd = [pltpu.async_copy(
                  acc.at[pl.ds(r0 + i * FCH, FCH), :],
                  out_hbm.at[pl.ds(r0 + i * FCH, FCH), pl.ds(co, HH)],
                  sz) for i in range(NF)]
        for d in fd:
            d.wait()

    return k(g2d, edge_ch)


R2 = 1000


def _mm_small(a, b):
    def body(a_ref, b_ref, o_ref):
        o_ref[...] = jnp.dot(a_ref[...], b_ref[...],
                             preferred_element_type=_f32)

    return pl.pallas_call(
        body,
        out_shape=jax.ShapeDtypeStruct((a.shape[0], b.shape[1]), _f32),
    )(a, b)


def _tc_scale(h0, h1, lin128):
    def body(h0_ref, h1_ref, lin_ref, g_ref, dis_ref):
        d2 = lax.rsqrt(h0_ref[...] + h1_ref[...] + 1.0)
        db = jnp.concatenate(
            [jnp.broadcast_to(d2[:, 0:1], (R2, H)),
             jnp.broadcast_to(d2[:, 1:2], (R2, H))], axis=1)
        g_ref[...] = lin_ref[...] * db
        dis_ref[...] = d2

    return pl.pallas_call(
        body,
        grid=(N // 2 // R2,),
        in_specs=[
            pl.BlockSpec((R2, 2), lambda i: (i, 0)),
            pl.BlockSpec((R2, 2), lambda i: (i, 0)),
            pl.BlockSpec((R2, 2 * H), lambda i: (i, 0)),
        ],
        out_specs=[
            pl.BlockSpec((R2, 2 * H), lambda i: (i, 0)),
            pl.BlockSpec((R2, 2), lambda i: (i, 0)),
        ],
        out_shape=[
            jax.ShapeDtypeStruct((N // 2 + 2, 2 * H), _f32),
            jax.ShapeDtypeStruct((N // 2, 2), _f32),
        ],
    )(h0, h1, lin128)


def _tc_combine(acc128, g128, dis, b128, w2bd):
    def body(a_ref, g_ref, dis_ref, b_ref, w_ref, o_ref):
        d2 = dis_ref[...]
        db = jnp.concatenate(
            [jnp.broadcast_to(d2[:, 0:1], (R2, H)),
             jnp.broadcast_to(d2[:, 1:2], (R2, H))], axis=1)
        h = jnp.maximum(db * (a_ref[...] + g_ref[...]) + b_ref[...], 0.0)
        o_ref[...] = jnp.dot(h, w_ref[...],
                             preferred_element_type=_f32) * db

    return pl.pallas_call(
        body,
        grid=(N // 2 // R2,),
        in_specs=[
            pl.BlockSpec((R2, 2 * H), lambda i: (i, 0)),
            pl.BlockSpec((R2, 2 * H), lambda i: (i, 0)),
            pl.BlockSpec((R2, 2), lambda i: (i, 0)),
            pl.BlockSpec((1, 2 * H), lambda i: (0, 0)),
            pl.BlockSpec((2 * H, 2 * H), lambda i: (0, 0)),
        ],
        out_specs=pl.BlockSpec((R2, 2 * H), lambda i: (i, 0)),
        out_shape=jax.ShapeDtypeStruct((N // 2 + 2, 2 * H), _f32),
    )(acc128, g128, dis, b128, w2bd)


def _tc_final(acc128, g128, dis, b128, wfcbd, bfc):
    def body(a_ref, g_ref, dis_ref, b_ref, w_ref, bfc_ref, o_ref):
        d2 = dis_ref[...]
        db = jnp.concatenate(
            [jnp.broadcast_to(d2[:, 0:1], (R2, H)),
             jnp.broadcast_to(d2[:, 1:2], (R2, H))], axis=1)
        h = jnp.maximum(db * (a_ref[...] + g_ref[...]) + b_ref[...], 0.0)
        o_ref[...] = (jnp.dot(h, w_ref[...], preferred_element_type=_f32)
                      + bfc_ref[0, 0])

    return pl.pallas_call(
        body,
        grid=(N // 2 // R2,),
        in_specs=[
            pl.BlockSpec((R2, 2 * H), lambda i: (i, 0)),
            pl.BlockSpec((R2, 2 * H), lambda i: (i, 0)),
            pl.BlockSpec((R2, 2), lambda i: (i, 0)),
            pl.BlockSpec((1, 2 * H), lambda i: (0, 0)),
            pl.BlockSpec((2 * H, 2), lambda i: (0, 0)),
            pl.BlockSpec((1, 1), lambda i: (0, 0)),
        ],
        out_specs=pl.BlockSpec((R2, 2), lambda i: (i, 0)),
        out_shape=jax.ShapeDtypeStruct((N // 2, 2), _f32),
    )(acc128, g128, dis, b128, wfcbd, bfc)


@jax.jit
def kernel(x, edge_index, emb, W1, b1, W2, b2, Wfc, bfc):
    col = edge_index[1]

    npad = NS * EPT - E
    ga = jnp.concatenate([edge_index[0] * 2, jnp.zeros((npad,), jnp.int32)])
    cp = jnp.concatenate([edge_index[1], jnp.full((npad,), N, jnp.int32)])
    base = jnp.concatenate([ga.reshape(NS, NCH, 1, CH),
                            cp.reshape(NS, NCH, 1, CH)], axis=2)
    edge_st = jnp.pad(base, ((0, 0), (0, PF), (0, 0), (0, 0)))

    t1 = _mm_small(emb, W1)
    hist2 = _sc_hist(col)
    xp = jnp.pad(x, (0, NPG - N))
    lin1p = _sc_gather(t1, xp)

    w2bd = (jnp.zeros((2 * H, 2 * H), _f32)
            .at[:H, :H].set(W2).at[H:, H:].set(W2))
    wfcbd = (jnp.zeros((2 * H, 2), _f32)
             .at[:H, 0].set(Wfc[:, 0]).at[H:, 1].set(Wfc[:, 0]))
    b1d = jnp.tile(b1, 2).reshape(1, 2 * H)
    b2d = jnp.tile(b2, 2).reshape(1, 2 * H)

    g1, dis = _tc_scale(hist2[0].reshape(NPH // 2, 2),
                        hist2[1].reshape(NPH // 2, 2),
                        lin1p.reshape(NPG // 2, 2 * H))

    a1 = _sc_edge(g1.reshape(2 * N + 8, HH), edge_st)
    g2 = _tc_combine(a1.reshape(N // 2, 2 * H), g1, dis, b1d, w2bd)

    a2 = _sc_edge(g2.reshape(2 * N + 8, HH), edge_st)
    out = _tc_final(a2.reshape(N // 2, 2 * H), g2, dis, b2d, wfcbd,
                    bfc.reshape(1, 1))
    return out.reshape(N)

# --- scband reference (transcript-rebuilt; emitter-appended) ---
"""Pipeline reference for scband-morpho-gnn-85933705659009 (READ-ONLY COPY).

The authoritative reference and input builder live on the scoring server;
editing this copy changes nothing except your own understanding.
"""

import jax, jax.numpy as jnp
import numpy as np

N_NODES = 50000
N_EDGES = 800000
NUM_TAGS = 1000
HID = 64


def setup_inputs(seed: int = 0) -> dict:
    key = jax.random.key(seed)
    ks = jax.random.split(key, 10)
    x = jax.random.randint(ks[0], (N_NODES,), 0, NUM_TAGS, dtype=jnp.int64 if jax.config.jax_enable_x64 else jnp.int32)
    edge_index = jax.random.randint(ks[1], (2, N_EDGES), 0, N_NODES, dtype=jnp.int64 if jax.config.jax_enable_x64 else jnp.int32)
    emb = jax.random.normal(ks[2], (NUM_TAGS, HID), dtype=jnp.float32)
    s = 1.0 / np.sqrt(HID)
    W1 = jax.random.uniform(ks[3], (HID, HID), jnp.float32, -s, s)
    b1 = jnp.zeros((HID,), jnp.float32)
    W2 = jax.random.uniform(ks[4], (HID, HID), jnp.float32, -s, s)
    b2 = jnp.zeros((HID,), jnp.float32)
    Wfc = jax.random.uniform(ks[5], (HID, 1), jnp.float32, -s, s)
    bfc = jax.random.uniform(ks[6], (1,), jnp.float32, -s, s)
    return {"x": x, "edge_index": edge_index, "emb": emb, "W1": W1, "b1": b1, "W2": W2, "b2": b2, "Wfc": Wfc, "bfc": bfc}


def _gcn_conv(h, edge_index, W, b):
    # PyG GCNConv: add self loops, symmetric normalization, linear, scatter-add at target
    N = h.shape[0]
    loops = jnp.arange(N, dtype=edge_index.dtype)
    row = jnp.concatenate([edge_index[0], loops])  # source
    col = jnp.concatenate([edge_index[1], loops])  # target
    ew = jnp.ones(row.shape[0], dtype=h.dtype)
    deg = jax.ops.segment_sum(ew, col, num_segments=N)
    dis = jnp.where(deg > 0, 1.0 / jnp.sqrt(deg), 0.0)
    norm = dis[row] * dis[col]
    lin = h @ W
    msgs = lin[row] * norm[:, None]
    out = jax.ops.segment_sum(msgs, col, num_segments=N)
    return out + b


def reference(x, edge_index, emb, W1, b1, W2, b2, Wfc, bfc):
    h = jnp.take(emb, x, axis=0)
    h = jax.nn.relu(_gcn_conv(h, edge_index, W1, b1))
    h = jax.nn.relu(_gcn_conv(h, edge_index, W2, b2))
    out = h @ Wfc + bfc
    return out.squeeze(-1)

if __name__ == "__main__":
    import jax
    _d = setup_inputs()
    print(jax.jit(kernel)(*tuple(_d.values())))

</pallas_src>

<mosaic_0001>
#map = affine_map<(d0, d1) -> (0)>
#map1 = affine_map<(d0, d1) -> (0, 0)>
module attributes {stable_mosaic.version = 14 : i64} {
  func.func @k(%arg0: i32, %arg1: i32, %arg2: memref<800000xi32, #tpu.memory_space<hbm>>, %arg3: memref<2x51200xf32, #tpu.memory_space<hbm>>, %arg4: memref<1600xi32, #tpu.memory_space<vmem>>, %arg5: memref<51200xf32, #tpu.memory_space<vmem>>, %arg6: memref<3200xf32, #tpu.memory_space<vmem>>, %arg7: memref<3200xf32, #tpu.memory_space<vmem>>, %arg8: memref<16x51200xf32, #tpu.memory_space<vmem_shared>>) attributes {dimension_semantics = [#tpu.dimension_semantics<core_parallel>, #tpu.dimension_semantics<subcore_parallel>], iteration_bounds = array<i64: 2, 16>, scalar_prefetch = 0 : i64, scratch_operands = 5 : i64, tpu.core_type = #tpu.core_type<sc_vector_subcore>, window_params = [{transform_indices = #map}, {transform_indices = #map1}]} {
    %broadcast_in_dim3A = arith.constant 1.000000e+00 : f32
    %broadcast_in_dim3A_0 = vector.broadcast %broadcast_in_dim3A : f32 to vector<16xf32>
    %scan3A = arith.constant 0 : i32
    %scan3A_1 = arith.constant 3200 : i32
    %scan3A_2 = arith.addi %scan3A, %scan3A_1 : i32
    %scan3A_3 = arith.constant 1 : i32
    scf.for %scan3A_35 = %scan3A to %scan3A_2 step %scan3A_3  : i32 {
      %mul3A_36 = arith.constant 16 : i32
      %mul3A_37 = arith.muli %scan3A_35, %mul3A_36 : i32
      %add3A_38 = arith.constant 0 : i32
      %add3A_39 = arith.addi %add3A_38, %mul3A_37 : i32
      %broadcast_in_dim3A_40 = arith.constant 0.000000e+00 : f32
      %broadcast_in_dim3A_41 = vector.broadcast %broadcast_in_dim3A_40 : f32 to vector<16xf32>
      %swap3A = arith.index_cast %add3A_39 : i32 to index
      %swap3A_42 = tpu.vector_load %arg5[%swap3A] {strides = array<i32>} : memref<51200xf32, #tpu.memory_space<vmem>>, vector<16xf32>,
      tpu.vector_store %arg5[%swap3A], %broadcast_in_dim3A_41 {strides = array<i32>} : memref<51200xf32, #tpu.memory_space<vmem>>, vector<16xf32>,
    }
    %scan3A_4 = arith.constant 3200 : i32
    %mul3A = arith.constant 16 : i32
    %mul3A_5 = arith.muli %arg0, %mul3A : i32
    %add3A = arith.addi %mul3A_5, %arg1 : i32
    %mul3A_6 = arith.constant 25000 : i32
    %mul3A_7 = arith.muli %add3A, %mul3A_6 : i32
    %scan3A_8 = arith.constant 0 : i32
    %scan3A_9 = arith.constant 15 : i32
    %scan3A_10 = arith.addi %scan3A_8, %scan3A_9 : i32
    %scan3A_11 = arith.constant 1 : i32
    scf.for %scan3A_35 = %scan3A_8 to %scan3A_10 step %scan3A_11  : i32 {
      %mul3A_36 = arith.constant 1 : i32
      %mul3A_37 = arith.muli %scan3A_35, %mul3A_36 : i32
      %add3A_38 = arith.constant 0 : i32
      %add3A_39 = arith.addi %add3A_38, %mul3A_37 : i32
      %mul3A_40 = arith.constant 1600 : i32
      %mul3A_41 = arith.muli %add3A_39, %mul3A_40 : i32
      %add3A_42 = arith.addi %mul3A_7, %mul3A_41 : i32
      "tpu.region"() ({
        %run_scoped3A = tpu.sem_alloc : memref<!tpu.dma_semaphore, #tpu.memory_space<semaphore_mem>>
        %dma_start3A = tpu.memref_slice %arg2[%add3A_42] : memref<800000xi32, #tpu.memory_space<hbm>> -> memref<1600xi32, #tpu.memory_space<hbm>>
        %dma_start3A_48 = tpu.memref_slice %arg2[%add3A_42] : memref<800000xi32, #tpu.memory_space<hbm>> -> memref<1600xi32, #tpu.memory_space<hbm>>
        tpu.enqueue_dma source(%dma_start3A_48 : memref<1600xi32, #tpu.memory_space<hbm>>) target(%arg4 : memref<1600xi32, #tpu.memory_space<vmem>>) target_semaphore(%run_scoped3A : memref<!tpu.dma_semaphore, #tpu.memory_space<semaphore_mem>>)
        %dma_wait3A = tpu.memref_slice %arg2[%add3A_42] : memref<800000xi32, #tpu.memory_space<hbm>> -> memref<1600xi32, #tpu.memory_space<hbm>>
        %dma_wait3A_49 = tpu.memref_slice %arg2[%add3A_42] : memref<800000xi32, #tpu.memory_space<hbm>> -> memref<1600xi32, #tpu.memory_space<hbm>>
        tpu.wait_dma2 semaphore(%run_scoped3A : memref<!tpu.dma_semaphore, #tpu.memory_space<semaphore_mem>>) src(%dma_wait3A_49 : memref<1600xi32, #tpu.memory_space<hbm>>) dst(%arg4 : memref<1600xi32, #tpu.memory_space<vmem>>)
        tpu.yield
      }) : () -> ()
      %scan3A_43 = arith.constant 0 : i32
      %scan3A_44 = arith.constant 100 : i32
      %scan3A_45 = arith.addi %scan3A_43, %scan3A_44 : i32
      %scan3A_46 = arith.constant 1 : i32
      scf.for %scan3A_48 = %scan3A_43 to %scan3A_45 step %scan3A_46  : i32 {
        %mul3A_49 = arith.constant 16 : i32
        %mul3A_50 = arith.muli %scan3A_48, %mul3A_49 : i32
        %add3A_51 = arith.constant 0 : i32
        %add3A_52 = arith.addi %add3A_51, %mul3A_50 : i32
        %get3A_53 = arith.index_cast %add3A_52 : i32 to index
        %get3A_54 = tpu.vector_load %arg4[%get3A_53] {strides = array<i32>} : memref<1600xi32, #tpu.memory_space<vmem>>, vector<16xi32>,
        tpu.vector_store_idx %arg5[%get3A_54], %broadcast_in_dim3A_0 {add = true} : memref<51200xf32, #tpu.memory_space<vmem>>[vector<16xi32>], vector<16xf32>,
      }
      %scan3A_47 = arith.constant 100 : i32
    }
    %scan3A_12 = arith.constant 15 : i32
    %add3A_13 = arith.constant 24000 : i32
    %add3A_14 = arith.addi %mul3A_7, %add3A_13 : i32
    "tpu.region"() ({
      %run_scoped3A = tpu.sem_alloc : memref<!tpu.dma_semaphore, #tpu.memory_space<semaphore_mem>>
      %dma_start3A = arith.constant 0 : i32
      %dma_start3A_35 = tpu.memref_slice %arg4[%dma_start3A] : memref<1600xi32, #tpu.memory_space<vmem>> -> memref<1000xi32, #tpu.memory_space<vmem>>
      %dma_start3A_36 = tpu.memref_slice %arg2[%add3A_14] : memref<800000xi32, #tpu.memory_space<hbm>> -> memref<1000xi32, #tpu.memory_space<hbm>>
      %dma_start3A_37 = arith.constant 0 : i32
      %dma_start3A_38 = tpu.memref_slice %arg4[%dma_start3A_37] : memref<1600xi32, #tpu.memory_space<vmem>> -> memref<1000xi32, #tpu.memory_space<vmem>>
      %dma_start3A_39 = tpu.memref_slice %arg2[%add3A_14] : memref<800000xi32, #tpu.memory_space<hbm>> -> memref<1000xi32, #tpu.memory_space<hbm>>
      tpu.enqueue_dma source(%dma_start3A_39 : memref<1000xi32, #tpu.memory_space<hbm>>) target(%dma_start3A_38 : memref<1000xi32, #tpu.memory_space<vmem>>) target_semaphore(%run_scoped3A : memref<!tpu.dma_semaphore, #tpu.memory_space<semaphore_mem>>)
      %dma_wait3A = arith.constant 0 : i32
      %dma_wait3A_40 = tpu.memref_slice %arg4[%dma_wait3A] : memref<1600xi32, #tpu.memory_space<vmem>> -> memref<1000xi32, #tpu.memory_space<vmem>>
      %dma_wait3A_41 = tpu.memref_slice %arg2[%add3A_14] : memref<800000xi32, #tpu.memory_space<hbm>> -> memref<1000xi32, #tpu.memory_space<hbm>>
      %dma_wait3A_42 = arith.constant 0 : i32
      %dma_wait3A_43 = tpu.memref_slice %arg4[%dma_wait3A_42] : memref<1600xi32, #tpu.memory_space<vmem>> -> memref<1000xi32, #tpu.memory_space<vmem>>
      %dma_wait3A_44 = tpu.memref_slice %arg2[%add3A_14] : memref<800000xi32, #tpu.memory_space<hbm>> -> memref<1000xi32, #tpu.memory_space<hbm>>
      tpu.wait_dma2 semaphore(%run_scoped3A : memref<!tpu.dma_semaphore, #tpu.memory_space<semaphore_mem>>) src(%dma_wait3A_44 : memref<1000xi32, #tpu.memory_space<hbm>>) dst(%dma_wait3A_43 : memref<1000xi32, #tpu.memory_space<vmem>>)
      tpu.yield
    }) : () -> ()
    %scan3A_15 = arith.constant 0 : i32
    %scan3A_16 = arith.constant 62 : i32
    %scan3A_17 = arith.addi %scan3A_15, %scan3A_16 : i32
    %scan3A_18 = arith.constant 1 : i32
    scf.for %scan3A_35 = %scan3A_15 to %scan3A_17 step %scan3A_18  : i32 {
      %mul3A_36 = arith.constant 16 : i32
      %mul3A_37 = arith.muli %scan3A_35, %mul3A_36 : i32
      %add3A_38 = arith.constant 0 : i32
      %add3A_39 = arith.addi %add3A_38, %mul3A_37 : i32
      %get3A_40 = arith.index_cast %add3A_39 : i32 to index
      %get3A_41 = tpu.vector_load %arg4[%get3A_40] {strides = array<i32>} : memref<1600xi32, #tpu.memory_space<vmem>>, vector<16xi32>,
      tpu.vector_store_idx %arg5[%get3A_41], %broadcast_in_dim3A_0 {add = true} : memref<51200xf32, #tpu.memory_space<vmem>>[vector<16xi32>], vector<16xf32>,
    }
    %scan3A_19 = arith.constant 62 : i32
    %iota3A = tpu.iota {dimensions = array<i32: 0>} : vector<16xi32>
    %lt3A = arith.constant 8 : i32
    %lt3A_20 = vector.broadcast %lt3A : i32 to vector<16xi32>
    %lt3A_21 = arith.cmpi slt, %iota3A, %lt3A_20 : vector<16xi32>
    %get3A = arith.constant 992 : index
    %get3A_22 = tpu.vector_load %arg4[%get3A] {strides = array<i32>} : memref<1600xi32, #tpu.memory_space<vmem>>, vector<16xi32>,
    tpu.vector_store_idx %arg5[%get3A_22], %broadcast_in_dim3A_0 masked %lt3A_21 {add = true} : memref<51200xf32, #tpu.memory_space<vmem>>[vector<16xi32>], vector<16xf32>, vector<16xi1>
    "tpu.region"() ({
      %run_scoped3A = tpu.sem_alloc : memref<!tpu.dma_semaphore, #tpu.memory_space<semaphore_mem>>
      %dma_start3A = arith.constant 0 : i32
      %dma_start3A_35 = tpu.memref_slice %arg8[%arg1, %dma_start3A] : memref<16x51200xf32, #tpu.memory_space<vmem_shared>> -> memref<1x51200xf32, #tpu.memory_space<vmem_shared>>
      %dma_start3A_36 = tpu.memref_squeeze %dma_start3A_35 : memref<1x51200xf32, #tpu.memory_space<vmem_shared>> -> memref<51200xf32, #tpu.memory_space<vmem_shared>>
      %dma_start3A_37 = arith.constant 0 : i32
      %dma_start3A_38 = tpu.memref_slice %arg8[%arg1, %dma_start3A_37] : memref<16x51200xf32, #tpu.memory_space<vmem_shared>> -> memref<1x51200xf32, #tpu.memory_space<vmem_shared>>
      %dma_start3A_39 = tpu.memref_squeeze %dma_start3A_38 : memref<1x51200xf32, #tpu.memory_space<vmem_shared>> -> memref<51200xf32, #tpu.memory_space<vmem_shared>>
      tpu.enqueue_dma source(%arg5 : memref<51200xf32, #tpu.memory_space<vmem>>) target(%dma_start3A_39 : memref<51200xf32, #tpu.memory_space<vmem_shared>>) target_semaphore(%run_scoped3A : memref<!tpu.dma_semaphore, #tpu.memory_space<semaphore_mem>>)
      %dma_wait3A = arith.constant 0 : i32
      %dma_wait3A_40 = tpu.memref_slice %arg8[%arg1, %dma_wait3A] : memref<16x51200xf32, #tpu.memory_space<vmem_shared>> -> memref<1x51200xf32, #tpu.memory_space<vmem_shared>>
      %dma_wait3A_41 = tpu.memref_squeeze %dma_wait3A_40 : memref<1x51200xf32, #tpu.memory_space<vmem_shared>> -> memref<51200xf32, #tpu.memory_space<vmem_shared>>
      %dma_wait3A_42 = arith.constant 0 : i32
      %dma_wait3A_43 = tpu.memref_slice %arg8[%arg1, %dma_wait3A_42] : memref<16x51200xf32, #tpu.memory_space<vmem_shared>> -> memref<1x51200xf32, #tpu.memory_space<vmem_shared>>
      %dma_wait3A_44 = tpu.memref_squeeze %dma_wait3A_43 : memref<1x51200xf32, #tpu.memory_space<vmem_shared>> -> memref<51200xf32, #tpu.memory_space<vmem_shared>>
      tpu.wait_dma2 semaphore(%run_scoped3A : memref<!tpu.dma_semaphore, #tpu.memory_space<semaphore_mem>>) src(%arg5 : memref<51200xf32, #tpu.memory_space<vmem>>) dst(%dma_wait3A_44 : memref<51200xf32, #tpu.memory_space<vmem_shared>>)
      tpu.yield
    }) : () -> ()
    %barrier3A = arith.constant 0 : index
    tpu.barrier barrier_id(%barrier3A)
    %mul3A_23 = arith.constant 3200 : i32
    %mul3A_24 = arith.muli %arg1, %mul3A_23 : i32
    %scan3A_25 = arith.constant 0 : i32
    %scan3A_26 = arith.constant 200 : i32
    %scan3A_27 = arith.addi %scan3A_25, %scan3A_26 : i32
    %scan3A_28 = arith.constant 1 : i32
    scf.for %scan3A_35 = %scan3A_25 to %scan3A_27 step %scan3A_28  : i32 {
      %mul3A_36 = arith.constant 16 : i32
      %mul3A_37 = arith.muli %scan3A_35, %mul3A_36 : i32
      %add3A_38 = arith.constant 0 : i32
      %add3A_39 = arith.addi %add3A_38, %mul3A_37 : i32
      %broadcast_in_dim3A_40 = arith.constant 0.000000e+00 : f32
      %broadcast_in_dim3A_41 = vector.broadcast %broadcast_in_dim3A_40 : f32 to vector<16xf32>
      %swap3A = arith.index_cast %add3A_39 : i32 to index
      %swap3A_42 = tpu.vector_load %arg6[%swap3A] {strides = array<i32>} : memref<3200xf32, #tpu.memory_space<vmem>>, vector<16xf32>,
      tpu.vector_store %arg6[%swap3A], %broadcast_in_dim3A_41 {strides = array<i32>} : memref<3200xf32, #tpu.memory_space<vmem>>, vector<16xf32>,
    }
    %scan3A_29 = arith.constant 200 : i32
    %scan3A_30 = arith.constant 0 : i32
    %scan3A_31 = arith.constant 16 : i32
    %scan3A_32 = arith.addi %scan3A_30, %scan3A_31 : i32
    %scan3A_33 = arith.constant 1 : i32
    scf.for %scan3A_35 = %scan3A_30 to %scan3A_32 step %scan3A_33  : i32 {
      %mul3A_36 = arith.constant 1 : i32
      %mul3A_37 = arith.muli %scan3A_35, %mul3A_36 : i32
      %add3A_38 = arith.constant 0 : i32
      %add3A_39 = arith.addi %add3A_38, %mul3A_37 : i32
      "tpu.region"() ({
        %run_scoped3A = tpu.sem_alloc : memref<!tpu.dma_semaphore, #tpu.memory_space<semaphore_mem>>
        %dma_start3A = tpu.memref_slice %arg8[%add3A_39, %mul3A_24] : memref<16x51200xf32, #tpu.memory_space<vmem_shared>> -> memref<1x3200xf32, #tpu.memory_space<vmem_shared>>
        %dma_start3A_45 = tpu.memref_squeeze %dma_start3A : memref<1x3200xf32, #tpu.memory_space<vmem_shared>> -> memref<3200xf32, #tpu.memory_space<vmem_shared>>
        %dma_start3A_46 = tpu.memref_slice %arg8[%add3A_39, %mul3A_24] : memref<16x51200xf32, #tpu.memory_space<vmem_shared>> -> memref<1x3200xf32, #tpu.memory_space<vmem_shared>>
        %dma_start3A_47 = tpu.memref_squeeze %dma_start3A_46 : memref<1x3200xf32, #tpu.memory_space<vmem_shared>> -> memref<3200xf32, #tpu.memory_space<vmem_shared>>
        tpu.enqueue_dma source(%dma_start3A_47 : memref<3200xf32, #tpu.memory_space<vmem_shared>>) target(%arg7 : memref<3200xf32, #tpu.memory_space<vmem>>) target_semaphore(%run_scoped3A : memref<!tpu.dma_semaphore, #tpu.memory_space<semaphore_mem>>)
        %dma_wait3A = tpu.memref_slice %arg8[%add3A_39, %mul3A_24] : memref<16x51200xf32, #tpu.memory_space<vmem_shared>> -> memref<1x3200xf32, #tpu.memory_space<vmem_shared>>
        %dma_wait3A_48 = tpu.memref_squeeze %dma_wait3A : memref<1x3200xf32, #tpu.memory_space<vmem_shared>> -> memref<3200xf32, #tpu.memory_space<vmem_shared>>
        %dma_wait3A_49 = tpu.memref_slice %arg8[%add3A_39, %mul3A_24] : memref<16x51200xf32, #tpu.memory_space<vmem_shared>> -> memref<1x3200xf32, #tpu.memory_space<vmem_shared>>
        %dma_wait3A_50 = tpu.memref_squeeze %dma_wait3A_49 : memref<1x3200xf32, #tpu.memory_space<vmem_shared>> -> memref<3200xf32, #tpu.memory_space<vmem_shared>>
        tpu.wait_dma2 semaphore(%run_scoped3A : memref<!tpu.dma_semaphore, #tpu.memory_space<semaphore_mem>>) src(%dma_wait3A_50 : memref<3200xf32, #tpu.memory_space<vmem_shared>>) dst(%arg7 : memref<3200xf32, #tpu.memory_space<vmem>>)
        tpu.yield
      }) : () -> ()
      %scan3A_40 = arith.constant 0 : i32
      %scan3A_41 = arith.constant 200 : i32
      %scan3A_42 = arith.addi %scan3A_40, %scan3A_41 : i32
      %scan3A_43 = arith.constant 1 : i32
      scf.for %scan3A_45 = %scan3A_40 to %scan3A_42 step %scan3A_43  : i32 {
        %mul3A_46 = arith.constant 16 : i32
        %mul3A_47 = arith.muli %scan3A_45, %mul3A_46 : i32
        %add3A_48 = arith.constant 0 : i32
        %add3A_49 = arith.addi %add3A_48, %mul3A_47 : i32
        %get3A_50 = arith.index_cast %add3A_49 : i32 to index
        %get3A_51 = tpu.vector_load %arg6[%get3A_50] {strides = array<i32>} : memref<3200xf32, #tpu.memory_space<vmem>>, vector<16xf32>,
        %get3A_52 = arith.index_cast %add3A_49 : i32 to index
        %get3A_53 = tpu.vector_load %arg7[%get3A_52] {strides = array<i32>} : memref<3200xf32, #tpu.memory_space<vmem>>, vector<16xf32>,
        %add3A_54 = arith.addf %get3A_51, %get3A_53 : vector<16xf32>
        %swap3A = arith.index_cast %add3A_49 : i32 to index
        %swap3A_55 = tpu.vector_load %arg6[%swap3A] {strides = array<i32>} : memref<3200xf32, #tpu.memory_space<vmem>>, vector<16xf32>,
        tpu.vector_store %arg6[%swap3A], %add3A_54 {strides = array<i32>} : memref<3200xf32, #tpu.memory_space<vmem>>, vector<16xf32>,
      }
      %scan3A_44 = arith.constant 200 : i32
    }
    %scan3A_34 = arith.constant 16 : i32
    "tpu.region"() ({
      %run_scoped3A = tpu.sem_alloc : memref<!tpu.dma_semaphore, #tpu.memory_space<semaphore_mem>>
      %dma_start3A = tpu.memref_slice %arg3[%arg0, %mul3A_24] : memref<2x51200xf32, #tpu.memory_space<hbm>> -> memref<1x3200xf32, #tpu.memory_space<hbm>>
      %dma_start3A_35 = tpu.memref_squeeze %dma_start3A : memref<1x3200xf32, #tpu.memory_space<hbm>> -> memref<3200xf32, #tpu.memory_space<hbm>>
      %dma_start3A_36 = tpu.memref_slice %arg3[%arg0, %mul3A_24] : memref<2x51200xf32, #tpu.memory_space<hbm>> -> memref<1x3200xf32, #tpu.memory_space<hbm>>
      %dma_start3A_37 = tpu.memref_squeeze %dma_start3A_36 : memref<1x3200xf32, #tpu.memory_space<hbm>> -> memref<3200xf32, #tpu.memory_space<hbm>>
      tpu.enqueue_dma source(%arg6 : memref<3200xf32, #tpu.memory_space<vmem>>) target(%dma_start3A_37 : memref<3200xf32, #tpu.memory_space<hbm>>) target_semaphore(%run_scoped3A : memref<!tpu.dma_semaphore, #tpu.memory_space<semaphore_mem>>)
      %dma_wait3A = tpu.memref_slice %arg3[%arg0, %mul3A_24] : memref<2x51200xf32, #tpu.memory_space<hbm>> -> memref<1x3200xf32, #tpu.memory_space<hbm>>
      %dma_wait3A_38 = tpu.memref_squeeze %dma_wait3A : memref<1x3200xf32, #tpu.memory_space<hbm>> -> memref<3200xf32, #tpu.memory_space<hbm>>
      %dma_wait3A_39 = tpu.memref_slice %arg3[%arg0, %mul3A_24] : memref<2x51200xf32, #tpu.memory_space<hbm>> -> memref<1x3200xf32, #tpu.memory_space<hbm>>
      %dma_wait3A_40 = tpu.memref_squeeze %dma_wait3A_39 : memref<1x3200xf32, #tpu.memory_space<hbm>> -> memref<3200xf32, #tpu.memory_space<hbm>>
      tpu.wait_dma2 semaphore(%run_scoped3A : memref<!tpu.dma_semaphore, #tpu.memory_space<semaphore_mem>>) src(%arg6 : memref<3200xf32, #tpu.memory_space<vmem>>) dst(%dma_wait3A_40 : memref<3200xf32, #tpu.memory_space<hbm>>)
      tpu.yield
    }) : () -> ()
    return
  }
}

</mosaic_0001>

<sc_bundles>
// kernel: _sc_hist.3.cloned.1.call-start
scs
__scs_entry_jumppad:
0x0: {  	(pc) =	sbr.rel $0x88, $3  }
0x1: {  	(tag) =	ssettag $0x0;
	lr =	simm.s32 $0x1  }
0x2: {  	[smem:$0x3FA0] =	sst lr;
	_ =	strace $0xD0000000  }
0x3: {  	_ = 	snop  }
0x4: {  	_ = 	snop  }
0x5: {  	_ = 	snop  }
0x6: {  	_ = 	snop  }
0x7: {  	_ = 	snop  }
__scs_overlays_trampoline_lowered:
0x8: {  	[smem:$0x3FAF] =	sst s0  }
0x9: {  	[smem:$0x3FB0] =	sst s1  }
0xa: {  	[smem:$0x3FB1] =	sst s2  }
0xb: {  	[smem:$0x3FB2] =	sst s3  }
0xc: {  	[smem:$0x3FB3] =	sst s4  }
0xd: {  	[smem:$0x3FB4] =	sst s5  }
0xe: {  	[smem:$0x3FB5] =	sst s6  }
0xf: {  	[smem:$0x3FB6] =	sst s7  }
0x10: {  	[smem:$0x3FB7] =	sst s8  }
0x11: {  	[smem:$0x3FB8] =	sst s9;
	s0 =	simm.s32 @!p0 $0x0  }
0x12: {  	s1 =	sld [smem:$0x3F9E];
	s0 =	simm.s32 @p0 $0x1  }
0x13: {  	[smem:$0x3FB9] =	sst s0;
	s0 =	simm.s32 @!p1 $0x0  }
0x14: {  	s2 =	sld [smem:$0x3F9D];
	s0 =	simm.s32 @p1 $0x1  }
0x15: {  	[smem:$0x3FBA] =	sst s0;
	s0 =	simm.s32 @!p2 $0x0  }
0x16: {  	s3 =	sld [smem:$0x3FDB];
	s0 =	simm.s32 @p2 $0x1  }
0x17: {  	s4 =	simm.s32 $0x1BF5;
	[smem:$0x3FBC] =	sst s0  }
0x18: {  	s0 =	sld [smem:$0x3F9F];
	_ =	swait.ge [sflag:s4], $0x0  }
0x19: {  	s7 =	sld [smem:$0x3FA0]  }
0x1a: {  	s8 =	sadd.s32 $0xFFFFE003, lr  }
0x1b: {  	s9 =	sadd.s32 $0xFFFFFEF7, lr;
	s5 =	simm.s32 $0xFFFFFFFF;
	p2 =	slt.u32 s8, $0xFFFFF086  }
0x1c: {  	p1 =	slt.u32 s9, $0xF7A;
	s5 =	simm.s32 @!p2 $0x0  }
0x1d: {  	s5 =	simm.s32 @p1 $0x1;
	p0 =	seq.s32 s7, s2  }
0x1e: {  	s7 =	smul.u32 @!p0 $0xF7A, s2;
	p2 =	seq.s32 @!p0 s5, $0x0  }
0x1f: {  	s9 =	smul.u32 $0xF7A, s1;
	s8 =	simm.s32 @!p0 $0x1BF5;
	p2 =	por !p2, p0  }
0x20: {  	[sflag:s8] =	ssyncset.s32 @!p0 $0xFFFFF086;
	s6 =	sadd.s32 @!p0 s3, s7;
	s7 =	simm.s32 @!p0 $0x108  }
0x21: {  	s3 =	sadd.s32 s3, s9;
	s6 =	sadd.s32 @!p0 $0x88, s6;
	s7 =	simm.s32 @p2 $0x1082  }
0x22: {  	[simem:s7], [sflag:s8] =	dma.local @!p0 [hbm:s6], $0xF7A  }
0x23: {  	s9 =	sor.u32 $0xD0000000, s2;
	s6 =	simm.s32 $0x108;
	_ =	swait.ge @!p0 [sflag:s8], $0x0  }
0x24: {  	s3 =	sadd.s32 $0x88, s3;
	s6 =	simm.s32 @!p1 $0x1082;
	[sflag:s4] =	ssyncset.s32 $0xFFFFF086  }
0x25: {  	[simem:s6], [sflag:s4] =	dma.local [hbm:s3], $0xF7A  }
0x26: {  	[smem:$0x3FA0] =	sst s1;
	(tag) =	ssettag s2;
	_ =	strace s9  }
0x27: {  	s1 =	sld [smem:$0x3FB0]  }
0x28: {  	s2 =	sld [smem:$0x3FB1]  }
0x29: {  	s4 =	sld [smem:$0x3FB3]  }
0x2a: {  	p0 =	seq.s32 s5, $0x0;
	s5 =	sld [smem:$0x3FB4]  }
0x2b: {  	s6 =	sld [smem:$0x3FB5]  }
0x2c: {  	s7 =	sld [smem:$0x3FB6]  }
0x2d: {  	s3 =	simm.s32 $0x108;
	s8 =	sld [smem:$0x3FB7]  }
0x2e: {  	s3 =	simm.s32 @!p0 $0x1082;
	s9 =	sld [smem:$0x3FB8]  }
0x2f: {  	lr =	sadd.s32 s0, s3;
	s0 =	sld [smem:$0x3FAF]  }
0x30: {  	s3 =	sld [smem:$0x3FB2]  }
0x31: {  	[smem:$0x3FBB] =	sst s10  }
0x32: {  	s10 =	sld [smem:$0x3FB9];
	_ =	sdelay $0x3  }
0x33: {  	p0 =	seq.s32 s10, $0x1;
	s10 =	sld [smem:$0x3FBB];
	_ =	sdelay $0x3  }
0x34: {  	[smem:$0x3FBB] =	sst s10  }
0x35: {  	s10 =	sld [smem:$0x3FBA];
	_ =	sdelay $0x3  }
0x36: {  	p1 =	seq.s32 s10, $0x1;
	s10 =	sld [smem:$0x3FBB];
	_ =	sdelay $0x3  }
0x37: {  	[smem:$0x3FBB] =	sst s10  }
0x38: {  	s10 =	sld [smem:$0x3FBC]  }
0x39: {  	_ = 	snop;
	(pc) =	sbr.ind lr, $3  }
0x3a: {  	_ = 	snop  }
0x3b: {  	_ = 	snop  }
0x3c: {  	p2 =	seq.s32 s10, $0x1;
	s10 =	sld [smem:$0x3FBB]  }
0x3d: {  	_ =	shalt  }
0x3e: {  	_ =	shalt  }
0x3f: {  	_ =	shalt  }
0x40: {  	_ =	shalt  }
0x41: {  	_ =	shalt  }
0x42: {  	_ =	shalt  }
0x43: {  	_ =	shalt  }
0x44: {  	_ =	shalt  }
0x45: {  	_ =	shalt  }
0x46: {  	_ =	shalt  }
0x47: {  	_ =	shalt  }
0x48: {  	_ =	shalt  }
0x49: {  	_ =	shalt  }
0x4a: {  	_ =	shalt  }
0x4b: {  	_ =	shalt  }
0x4c: {  	_ =	shalt  }
0x4d: {  	_ =	shalt  }
0x4e: {  	_ =	shalt  }
0x4f: {  	_ =	shalt  }
0x50: {  	_ =	shalt  }
0x51: {  	_ =	shalt  }
0x52: {  	_ =	shalt  }
0x53: {  	_ =	shalt  }
0x54: {  	_ =	shalt  }
0x55: {  	_ =	shalt  }
0x56: {  	_ =	shalt  }
0x57: {  	_ =	shalt  }
0x58: {  	_ =	shalt  }
0x59: {  	_ =	shalt  }
0x5a: {  	_ =	shalt  }
0x5b: {  	_ =	shalt  }
0x5c: {  	_ =	shalt  }
0x5d: {  	_ =	shalt  }
0x5e: {  	_ =	shalt  }
0x5f: {  	_ =	shalt  }
0x60: {  	_ =	shalt  }
0x61: {  	_ =	shalt  }
0x62: {  	_ =	shalt  }
0x63: {  	_ =	shalt  }
0x64: {  	_ =	shalt  }
0x65: {  	_ =	shalt  }
0x66: {  	_ =	shalt  }
0x67: {  	_ =	shalt  }
0x68: {  	_ =	shalt  }
0x69: {  	_ =	shalt  }
0x6a: {  	_ =	shalt  }
0x6b: {  	_ =	shalt  }
0x6c: {  	_ =	shalt  }
0x6d: {  	_ =	shalt  }
0x6e: {  	_ =	shalt  }
0x6f: {  	_ =	shalt  }
0x70: {  	_ =	shalt  }
0x71: {  	_ =	shalt  }
0x72: {  	_ =	shalt  }
0x73: {  	_ =	shalt  }
0x74: {  	_ =	shalt  }
0x75: {  	_ =	shalt  }
0x76: {  	_ =	shalt  }
0x77: {  	_ =	shalt  }
0x78: {  	_ =	shalt  }
0x79: {  	_ =	shalt  }
0x7a: {  	_ =	shalt  }
0x7b: {  	_ =	shalt  }
0x7c: {  	_ =	shalt  }
0x7d: {  	_ =	shalt  }
0x7e: {  	_ =	shalt  }
0x7f: {  	_ =	shalt  }
0x80: {  	_ =	shalt  }
0x81: {  	_ =	shalt  }
0x82: {  	_ =	shalt  }
0x83: {  	_ =	shalt  }
0x84: {  	_ =	shalt  }
0x85: {  	_ =	shalt  }
0x86: {  	_ =	shalt  }
0x87: {  	_ =	shalt  }
.Lfunc_end0:
.L_simem_size_0:
called_computation_lowered:
.L_overlay_start_0:
0x88: {  	s2 =	sld [smem:$0x3FD9]  }
0x89: {  	s3 =	sld [smem:$0x3FFE];
	_ =	sdelay $0x1  }
0x8a: {  	s1 =	srdreg.scid  }
0x8b: {  	s0 =	sand.u32 $0x1, s1  }
0x8c: {  	s17 =	sshll.u32 s0, $0xA;
	s2 =	sadd.s32 s3, s2  }
0x8d: {  	s2 =	sadd.s32 s2, s17  }
0x8e: {  	[smem:$0x3FC7] =	sst s2  }
0x8f: {  	_ = 	snop  }
0x90: {  	s2 =	sld [smem:$0x3FC9];
	(tm) =	ssettm $0x1  }
0x91: {  	s18 =	sld [smem:$0x3FFB];
	_ =	sdelay $0x3  }
0x92: {  	_ =	strace s18  }
0x93: {  	s3 =	sld [smem:$0x3FFC];
	_ =	sdelay $0x3  }
0x94: {  	_ =	strace s3  }
0x95: {  	s3 =	sld [smem:$0x3FFD];
	_ =	sdelay $0x3  }
0x96: {  	_ =	strace s3  }
0x97: {  	_ =	strace $0x8FFFFFFF  }
0x98: {  	s19 =	sld [smem:$0x3FDB];
	_ =	sdelay $0x1  }
0x99: {  	s4 =	simm.s32 $_scs_section_size  }
0x9a: {  	s5 =	simm.s32 $_size__tile_overlayer_lowered;
	s6 =	simm.s32 $_tile_overlayer_lowered  }
0x9b: {  	s22 =	simm.s32 $0x1BFF;
	s21 =	sshll.u32 s6, $0x1;
	s3 =	sadd.s32 s4, s19  }
0x9c: {  	s7 =	simm.s32 $0x0;
	s20 =	sshll.u32 s5, $0x1;
	s5 =	sadd.s32 s21, s3  }
0x9d: {  	[timem:s7], [sflag:s22] =	dma.local [hbm:s5], s20  }
0x9e: {  	_ =	swait.ge [sflag:s22], s20  }
0x9f: {  	s4 =	ssub.s32 $0x0, s20;
	[sflag:s22] =	ssyncset.done $0x0  }
0xa0: {  	[sflag:s22] =	ssyncadd.s32 s4;
	_ =	sdelay $0x1  }
0xa1: {  	s23 =	simm.s32 $0x1B8B  }
0xa2: {  	_ =	swait.ge [sflag:s23], $0x1  }
0xa3: {  	[sflag:s23] =	ssyncset.done $0x0  }
0xa4: {  	s25 =	simm.s32 $0x1B8E;
	s24 =	sld [smem:$0x3FFE];
	[sflag:s23] =	ssyncadd.s32 $0xFFFFFFFF  }
0xa5: {  	s26 =	simm.s32 $execute0_lowered;
	[smem:$0x3FD2] =	sst s25  }
0xa6: {  	s5 =	sshll.u32 s26, $0x1;
	_ =	strace $0x80000046;
	[dreg:$0x1] =	wrdreg $0xFFFFFFFF  }
0xa7: {  	s28 =	simm.s32 $_size_execute0_lowered;
	s3 =	sadd.s32 s3, s5;
	[dreg:$0x0] =	wrdreg $0x0  }
0xa8: {  	s5 =	sshll.u32 s28, $0x1;
	[dreg:$0x2] =	wrdreg s3  }
0xa9: {  	[dreg:$0x3] =	wrdreg s5  }
0xaa: {  	[dreg:$0x4] =	wrdreg $0xC0  }
0xab: {  	_ =	task [dreg:s7], $0x5FFFF  }
0xac: {  	[dreg:$0x1] =	wrdreg $0xFFFFFFFF  }
0xad: {  	[dreg:$0x0] =	wrdreg $0x60  }
0xae: {  	[dreg:$0x2] =	wrdreg s2  }
0xaf: {  	[dreg:$0x3] =	wrdreg s24  }
0xb0: {  	[dreg:$0x4] =	wrdreg $0xE7400  }
0xb1: {  	[dreg:$0x5] =	wrdreg $0x9  }
0xb2: {  	_ =	task.clear_ibuf [dreg:s7], $0x6FFFF;
	_ =	strace $0x90000046  }
0xb3: {  	s29 =	simm.s32 $0x9;
	_ =	strace $0x80000048  }
0xb4: {  	_ =	swait.ge [sflag:s29], $0x1  }
0xb5: {  	[sflag:s29] =	ssyncadd.s32 $0xFFFFFFFF  }
0xb6: {  	_ =	strace $0x90000048  }
0xb7: {  	_ =	sfence  }
0xb8: {  	s30 =	sld [smem:$0x0];
	_ =	sdelay $0x2  }
0xb9: {  	s31 =	sshll.u32 s1, $0xD;
	s1 =	sshrl.u32 s1, $0x2  }
0xba: {  	s3 =	sand.u32 $0x4000, s31;
	s1 =	sadd.s32 s1, s30  }
0xbb: {  	s0 =	sor.u32 s3, s0;
	s1 =	sshll.u32 s1, $0x11  }
0xbc: {  	s0 =	sor.u32 s1, s0  }
0xbd: {  	s0 =	sadd.s32 $0x8F2B, s0  }
0xbe: {  	[sflag:s0] =	ssyncadd.remote.s32 $0x1  }
0xbf: {  	_ =	sfence.sel $0xFFFF  }
0xc0: {  	[dreg:$0x0] =	wrdreg $0xFFFFFFFF;
	(pc) =	sbr.abs _section_cstart, $3  }
0xc1: {  	[dreg:$0x1] =	wrdreg $0xFFFFFFFF  }
0xc2: {  	_ =	task.clear_ibuf [dreg:s7], $0x2FFFF;
	_ =	strace $0x9FFFFFFF  }
0xc3: {  	(tm) =	ssettm $0x7FFFFFFF  }
tec
execute0_lowered:
.L_overlay_start_1:
0x0: {  	(tag) =	ssettag $0x1  }
0x1: {  	s1 =	rddreg [dreg:$0x0]  }
0x2: {  	s2 =	srdreg.scid;
	s5 =	rddreg [dreg:$0x1]  }
0x3: {  	s0 =	stileid.u32;
	s8 =	rddreg [dreg:$0x2]  }
0x4: {  	s3 =	simm.s32 $0x0;
	s13 =	simm.s32 $0xCE40;
	s7 =	smul.u32 $0xC80, s0  }
0x5: {  	s6 =	sand.u32 $0x1, s2;
	s2 =	rddreg [dreg:$0x3];
	s11 =	smul.u32 $0x32000, s0  }
0x6: {  	s14 =	simm.s32 $0x0;
	[smem:$0x7FF] =	sst s3;
	s4 =	smul.u32 $0xC800, s6  }
0x7: {  	s9 =	sshll.u32 s6, $0x4;
	_ =	strace $0x80000047;
	s6 =	ssub.s32 $0x2, s6  }
0x8: {  	s9 =	sor.u32 s0, s9;
	s30 =	sshrl.u32 s6, $0x1;
	s31 =	sshrl.u32 s11, $0x2  }
0x9: {  	s11 =	simm.s32 $0x640;
	s10 =	sadd.s32 s7, s4;
	s4 =	smul.u32 $0x61A8, s9  }
0xa: {  	s12 =	ssub.s32 s6, s30;
	s6 =	sadd.s32 s31, s8;
	s28 =	sshrl.u32 s10, $0x3  }
0xb: {  	s7 =	sadd.s32 s7, s8;
	s29 =	sshrl.u32 s4, $0x3;
	s9 =	sadd.s32 s28, s5  }
0xc: {  	s10 =	sadd.s32 s1, s29;
	s8 =	sadd.s32 $0x400, s9;
	s9 =	smax.u32 s12, $0x1  }
0xd: {  	v0 =	vimm.f32 $0.0e+00;
	v1 =	vimm.f32 $1.000000000e+00;
	s12 =	simm.s32 $0xDAC0;
	s5 =	sadd.s32 $0xBB8, s10;
	s10 =	simm.s32 $0x1  }
.LBB2_1:
0xe: {  	s15 =	simm.s32 $0x40;
	s16 =	simm.s32 $0x0  }
.LBB2_2:
0xf: {  	p0 =	sne.s32 s15, $0x31FC0;
	[tilespmem:s16+$0x640] =	vst v0;
	s16 =	smov.u32 s15;
	s15 =	sadd.s32 $0x40, s15  }
.Ltmp0:
0x10: {  	(pc) =	sbr.rel @p0 .LBB2_2-.Ltmp0, $2  }
0x11: {  	_ =	sdelay $0x2  }
0x12: {  	s16 =	sshra.s32 s16, $0x2  }
0x13: {  	[tilespmem:s16+$0x640] =	vst v0;
	s15 =	simm.s32 $0x0;
	s16 =	simm.s32 $0x0  }
.LBB2_4:
0x14: {  	s17 =	smul.u32 $0x640, s16;
	_ =	sdelay $0x1  }
0x15: {  	s17 =	sadd.s32 s4, s17  }
0x16: {  	s17 =	sshrl.u32 s17, $0x3  }
0x17: {  	s17 =	sadd.s32 s1, s17  }
0x18: {  	[tilespmem:s15], [sflag:$0x1] =	stream.linear.gather [hbm4b:s17+s15], $0x640, $0x38;
	[tilespmem:$0x1AF40] =	vst v63  }
0x19: {  	_ =	swait.ge [sflag:s10], $0x640  }
0x1a: {  	[sflag:s10] =	ssyncset.done $0x0  }
0x1b: {  	s18 =	simm.s32 $0x0;
	s17 =	simm.s32 $0x40;
	[sflag:s10] =	ssyncadd.s32 $0xFFFFF9C0  }
.LBB2_5:
0x1c: {  	p0 =	sne.s32 s17, $0x18C0;
	v2 =	vld [tilespmem:s18+$0x0];
	_ =	sdelay $0x3  }
.Ltmp1:
0x1d: {  	(pc) =	sbr.rel @p0 .LBB2_5-.Ltmp1, $2  }
0x1e: {  	_ =	sdelay $0x2  }
0x1f: {  	s18 =	sshra.s32 s17, $0x2;
	s17 =	sadd.s32 $0x40, s17;
	[tilespmem:v2+s11+$0x0] =	vst.idx.add.f32.msk $0xffff, v1  }
0x20: {  	v2 =	vld [tilespmem:s18+$0x0];
	_ =	sdelay $0x1  }
0x21: {  	s16 =	sadd.s32 $0x1, s16  }
0x22: {  	p0 =	sne.s32 s16, $0xF  }
.Ltmp2:
0x23: {  	_ = 	snop;
	(pc) =	sbr.rel @p0 .LBB2_4-.Ltmp2, $2  }
0x24: {  	_ =	sdelay $0x2  }
0x25: {  	[tilespmem:v2+s11+$0x0] =	vst.idx.add.f32.msk $0xffff, v1  }
0x26: {  	s15 =	simm.s32 $0x0  }
0x27: {  	[tilespmem:s15], [sflag:$0x1] =	stream.linear.gather [hbm4b:s5+s15], $0x3E8, $0x38;
	[tilespmem:$0x1AF40] =	vst v63  }
0x28: {  	_ =	swait.ge [sflag:s10], $0x3E8  }
0x29: {  	[sflag:s10] =	ssyncset.done $0x0  }
0x2a: {  	s16 =	simm.s32 $0x0;
	s15 =	simm.s32 $0x40;
	[sflag:s10] =	ssyncadd.s32 $0xFFFFFC18  }
.LBB2_8:
0x2b: {  	p0 =	sne.s32 s15, $0xF40;
	v2 =	vld [tilespmem:s16+$0x0];
	_ =	sdelay $0x3  }
.Ltmp3:
0x2c: {  	(pc) =	sbr.rel @p0 .LBB2_8-.Ltmp3, $2  }
0x2d: {  	_ =	sdelay $0x2  }
0x2e: {  	s16 =	sshra.s32 s15, $0x2;
	s15 =	sadd.s32 $0x40, s15;
	[tilespmem:v2+s11+$0x0] =	vst.idx.add.f32.msk $0xffff, v1  }
0x2f: {  	v2 =	vld [tilespmem:s16+$0x0];
	_ =	sdelay $0x7  }
0x30: {  	[tilespmem:v2+s11+$0x0] =	vst.idx.add.f32.msk $0xffff, v1  }
0x31: {  	v2 =	vld [tilespmem:$0x3E0];
	_ =	sdelay $0x7  }
0x32: {  	[tilespmem:v2+s11+$0x0] =	vst.idx.add.f32.msk $0xff, v1  }
0x33: {  	[spmem:s6] =	stream.linear.scatter [tilespmem:s11], [sflag:$0x1], $0xC800, $0x38;
	[tilespmem:$0x1AF40] =	vst v63  }
0x34: {  	_ =	swait.ge [sflag:s10], $0xC800  }
0x35: {  	[sflag:s10] =	ssyncset.done $0x0  }
0x36: {  	s15 =	simm.s32 $0x0;
	[sflag:s10] =	ssyncadd.s32 $0xFFFF3800  }
0x37: {  	s16 =	simm.s32 $0x40;
	s17 =	simm.s32 $0x0;
	[bflag:$0x0] =	sbarrier.arrive $0xFFFF  }
.LBB2_10:
0x38: {  	p0 =	sne.s32 s16, $0x31C0;
	[tilespmem:s17+$0xCE40] =	vst v0;
	s17 =	smov.u32 s16;
	s16 =	sadd.s32 $0x40, s16  }
.Ltmp4:
0x39: {  	(pc) =	sbr.rel @p0 .LBB2_10-.Ltmp4, $2  }
0x3a: {  	_ =	sdelay $0x2  }
0x3b: {  	s17 =	sshra.s32 s17, $0x2  }
0x3c: {  	[tilespmem:s17+$0xCE40] =	vst v0  }
.LBB2_12:
0x3d: {  	s16 =	smul.u32 $0x32000, s15;
	_ =	sdelay $0x1  }
0x3e: {  	s16 =	sshra.s32 s16, $0x2  }
0x3f: {  	s16 =	sadd.s32 s16, s7  }
0x40: {  	[tilespmem:s12], [sflag:$0x1] =	stream.linear.gather [spmem:s16], $0xC80, $0x38;
	[tilespmem:$0x1AF40] =	vst v63  }
0x41: {  	_ =	swait.ge [sflag:s10], $0xC80  }
0x42: {  	[sflag:s10] =	ssyncset.done $0x0  }
0x43: {  	s16 =	simm.s32 $0x0;
	[sflag:s10] =	ssyncadd.s32 $0xFFFFF380  }
0x44: {  	s17 =	simm.s32 $0x40;
	v2 =	vld [tilespmem:s16+$0xDAC0]  }
.LBB2_13:
0x45: {  	p0 =	sne.s32 s17, $0x31C0;
	v3 =	vld [tilespmem:s16+$0xCE40];
	_ =	sdelay $0x2  }
.Ltmp5:
0x46: {  	(pc) =	sbr.rel @p0 .LBB2_13-.Ltmp5, $4  }
0x47: {  	_ = 	snop  }
0x48: {  	v3 =	vadd.f32 v2, v3  }
0x49: {  	s18 =	sshra.s32 s17, $0x2  }
0x4a: {  	s17 =	sadd.s32 $0x40, s17;
	v2 =	vld [tilespmem:s18+$0xDAC0];
	[tilespmem:s16+$0xCE40] =	vst v3;
	s16 =	smov.u32 s18  }
0x4b: {  	v3 =	vld [tilespmem:s16+$0xCE40]  }
0x4c: {  	s15 =	sadd.s32 $0x1, s15  }
0x4d: {  	p0 =	sne.s32 s15, $0x10  }
.Ltmp6:
0x4e: {  	_ = 	snop;
	(pc) =	sbr.rel @p0 .LBB2_12-.Ltmp6, $3  }
0x4f: {  	_ = 	snop  }
0x50: {  	v2 =	vadd.f32 v2, v3;
	_ =	sdelay $0x1  }
0x51: {  	[tilespmem:s16+$0xCE40] =	vst v2  }
0x52: {  	s14 =	sadd.s32 $0x1, s14  }
0x53: {  	p0 =	sne.s32 s14, s9  }
.Ltmp7:
0x54: {  	_ = 	snop;
	(pc) =	sbr.rel @p0 .LBB2_1-.Ltmp7, $4  }
0x55: {  	[hbm4b:s8+s3] =	stream.linear.scatter [tilespmem:s13], [sflag:$0x1], $0xC80, $0x38;
	[tilespmem:$0x1AF40] =	vst v63  }
0x56: {  	_ =	swait.ge [sflag:s10], $0xC80  }
0x57: {  	[sflag:s10] =	ssyncset.done $0x0  }
0x58: {  	[sflag:s10] =	ssyncadd.s32 $0xFFFFF380  }
0x59: {  	_ =	sfence.sel $0x180000  }
0x5a: {  	[bflag:$0x0] =	sbarrier.arrive $0xFFFF  }
0x5b: {  	p0 =	sne.s32 s0, $0x0;
	_ =	strace $0x90000047  }
0x5c: {  	s0 =	sadd.s32 @!p0 $0x100000, s2;
	[bflag:$0x2] =	sbarrier.arrive $0xFFFF  }
0x5d: {  	[sflag:s0] =	ssyncadd.tile.s32 @!p0 $0x1;
	_ =	shalt  }
.Lfunc_end2:
_tile_overlayer_lowered:
.L_overlay_start_2:
0x5e: {  	(tag) =	ssettag $0x2  }
0x5f: {  	s0 =	rddreg [dreg:$0x0];
	s2 =	stileid.u32  }
0x60: {  	s1 =	rddreg [dreg:$0x1];
	p0 =	sne.s32 s2, $0x0  }
0x61: {  	s3 =	rddreg [dreg:$0x2];
	[bflag:$0x3] =	sbarrier.arrive $0xFFFF;
	s2 =	simm.s32 @!p0 $0x1C01  }
0x62: {  	[timem:s3], [sflag:s2] =	dma.local @!p0 [hbm:s0], s1  }
0x63: {  	s0 =	simm.s32 @!p0 $0x1  }
0x64: {  	_ =	swait.ge @!p0 [sflag:s0], s1  }
0x65: {  	s1 =	ssub.s32 @!p0 $0x0, s1;
	[sflag:s0] =	ssyncset.done @!p0 $0x0  }
0x66: {  	[sflag:s0] =	ssyncadd.s32 @!p0 s1  }
0x67: {  	[bflag:$0x3] =	sbarrier.arrive $0xFFFF  }
0x68: {  	_ =	shalt  }

</sc_bundles>
